<compile_context>
chip_gen: v7x
topology: tpu7x:2x2x1
jax: 0.10.2.dev20260603
libtpu: 0.0.44.dev20260713+nightly
codegen_flags: <defaults>
</compile_context>

<pallas_src>
import functools

import jax
import jax.numpy as jnp
from jax import lax
from jax.experimental import pallas as pl
from jax.experimental.pallas import tpu as pltpu
from jax.experimental.pallas import tpu_sc as plsc

_HIDDEN = 4096
_EXPERTS = 64
_TOPK = 8
_BLOCK_T = 1024
_N_TOKENS = 16384
_NW = 32
_ROWS_PER_W = _N_TOKENS // _NW
_LANES = 16


def _softmax_block_kernel(hs_ref, w_ref, p_ref):
    logits = jax.lax.dot_general(
        hs_ref[...], w_ref[...], (((1,), (1,)), ((), ())),
        preferred_element_type=jnp.float32)
    e = jnp.exp(logits)
    p_ref[...] = e / jnp.sum(e, axis=-1, keepdims=True)


def _tc_softmax(hs, weight):
    return pl.pallas_call(
        _softmax_block_kernel,
        grid=(_N_TOKENS // _BLOCK_T,),
        in_specs=[
            pl.BlockSpec((_BLOCK_T, _HIDDEN), lambda i: (i, 0)),
            pl.BlockSpec((_EXPERTS, _HIDDEN), lambda i: (0, 0)),
        ],
        out_specs=pl.BlockSpec((_BLOCK_T, _EXPERTS), lambda i: (i, 0)),
        out_shape=jax.ShapeDtypeStruct((_N_TOKENS, _EXPERTS), jnp.float32),
        compiler_params=pltpu.CompilerParams(
            dimension_semantics=("parallel",)),
    )(hs, weight)


def _sc_topk_body(p_hbm, scores_hbm, idx_hbm, p_v, s_v, i_v):
    wid = lax.axis_index("s") * 2 + lax.axis_index("c")
    base = wid * _ROWS_PER_W
    pltpu.sync_copy(p_hbm.at[pl.ds(base, _ROWS_PER_W)], p_v)

    iota16 = lax.iota(jnp.int32, _LANES)
    mask8 = iota16 < _TOPK

    def merge(a, b):
        m = jnp.maximum(a, lax.rev(b, (0,)))
        s, _ = plsc.sort_key_val(m, m, descending=True)
        return s

    def row(i, carry):
        chunks = []
        for c in range(_EXPERTS // _LANES):
            pc = p_v[i, pl.ds(c * _LANES, _LANES)]
            b = lax.bitcast_convert_type(pc, jnp.int32)
            k = (b & ~0x3F) | (0x3F - (iota16 + c * _LANES))
            kf = lax.bitcast_convert_type(k, jnp.float32)
            s, _ = plsc.sort_key_val(kf, kf, descending=True)
            chunks.append(s)
        h = merge(merge(chunks[0], chunks[1]), merge(chunks[2], chunks[3]))
        ki = lax.bitcast_convert_type(h, jnp.int32)
        idx = 0x3F - (ki & 0x3F)
        val = lax.bitcast_convert_type((ki & ~0x3F) | 0x20, jnp.float32)
        denom = jnp.sum(jnp.where(mask8, val, 0.0))
        s_v[i, :] = val / denom
        i_v[i, :] = idx
        return carry

    lax.fori_loop(0, _ROWS_PER_W, row, 0)

    pltpu.sync_copy(s_v, scores_hbm.at[pl.ds(base, _ROWS_PER_W)])
    pltpu.sync_copy(i_v, idx_hbm.at[pl.ds(base, _ROWS_PER_W)])


_sc_topk = functools.partial(
    pl.kernel,
    mesh=plsc.VectorSubcoreMesh(core_axis_name="c", subcore_axis_name="s"),
    out_type=[
        jax.ShapeDtypeStruct((_N_TOKENS, _LANES), jnp.float32),
        jax.ShapeDtypeStruct((_N_TOKENS, _LANES), jnp.int32),
    ],
    scratch_types=[
        pltpu.VMEM((_ROWS_PER_W, _EXPERTS), jnp.float32),
        pltpu.VMEM((_ROWS_PER_W, _LANES), jnp.float32),
        pltpu.VMEM((_ROWS_PER_W, _LANES), jnp.int32),
    ],
    compiler_params=pltpu.CompilerParams(
        needs_layout_passes=False, use_tc_tiling_on_sc=False),
)(_sc_topk_body)


def kernel(hidden_states, weight):
    hs = hidden_states.reshape(-1, _HIDDEN)
    p = _tc_softmax(hs, weight)
    scores16, idx16 = _sc_topk(p)
    return (p, scores16[:, :_TOPK], idx16[:, :_TOPK])

# --- scband reference (transcript-rebuilt; emitter-appended) ---
"""Pipeline reference for scband-patch-qwen3-moe-top-krouter-3341484556620 (READ-ONLY COPY).

The authoritative reference and input builder live on the scoring server;
editing this copy changes nothing except your own understanding.
"""

import jax, jax.numpy as jnp
import numpy as np

HIDDEN_DIM = 4096
NUM_EXPERTS = 64
TOP_K = 8
NORM_TOPK_PROB = True


def setup_inputs(seed: int = 0) -> dict:
    key = jax.random.key(seed)
    k1, k2 = jax.random.split(key)
    hidden_states = jax.random.normal(k1, (4, 4096, HIDDEN_DIM), dtype=jnp.float32)
    # learned router weight, shape [num_experts, hidden_dim]
    weight = jax.random.normal(k2, (NUM_EXPERTS, HIDDEN_DIM), dtype=jnp.float32) * 0.02
    return {"hidden_states": hidden_states, "weight": weight}


def reference(hidden_states, weight):
    hs = hidden_states.reshape(-1, HIDDEN_DIM)
    # F.linear(x, W) == x @ W.T
    router_logits = hs @ weight.T
    router_logits = jax.nn.softmax(router_logits.astype(jnp.float32), axis=-1)
    router_top_value, router_indices = jax.lax.top_k(router_logits, TOP_K)
    if NORM_TOPK_PROB:
        router_top_value = router_top_value / jnp.sum(router_top_value, axis=-1, keepdims=True)
    router_top_value = router_top_value.astype(router_logits.dtype)
    router_scores = router_top_value
    return (router_logits, router_scores, router_indices)

if __name__ == "__main__":
    import jax
    _d = setup_inputs()
    print(jax.jit(kernel)(*tuple(_d.values())))

</pallas_src>

<mosaic_0001>
#map = affine_map<(d0, d1) -> (0, 0)>
module attributes {stable_mosaic.version = 14 : i64} {
  func.func @_sc_topk_body(%arg0: i32, %arg1: i32, %arg2: memref<16384x64xf32, #tpu.memory_space<hbm>>, %arg3: memref<16384x16xf32, #tpu.memory_space<hbm>>, %arg4: memref<16384x16xi32, #tpu.memory_space<hbm>>, %arg5: memref<512x64xf32, #tpu.memory_space<vmem>>, %arg6: memref<512x16xf32, #tpu.memory_space<vmem>>, %arg7: memref<512x16xi32, #tpu.memory_space<vmem>>) attributes {dimension_semantics = [#tpu.dimension_semantics<core_parallel>, #tpu.dimension_semantics<subcore_parallel>], iteration_bounds = array<i64: 2, 16>, scalar_prefetch = 0 : i64, scratch_operands = 3 : i64, tpu.core_type = #tpu.core_type<sc_vector_subcore>, window_params = [{transform_indices = #map}, {transform_indices = #map}, {transform_indices = #map}]} {
    %mul3A = arith.constant 2 : i32
    %mul3A_0 = arith.muli %arg1, %mul3A : i32
    %add3A = arith.addi %mul3A_0, %arg0 : i32
    %mul3A_1 = arith.constant 512 : i32
    %mul3A_2 = arith.muli %add3A, %mul3A_1 : i32
    "tpu.region"() ({
      %run_scoped3A = tpu.sem_alloc : memref<!tpu.dma_semaphore, #tpu.memory_space<semaphore_mem>>
      %dma_start3A = arith.constant 0 : i32
      %dma_start3A_10 = tpu.memref_slice %arg2[%mul3A_2, %dma_start3A] : memref<16384x64xf32, #tpu.memory_space<hbm>> -> memref<512x64xf32, #tpu.memory_space<hbm>>
      %dma_start3A_11 = arith.constant 0 : i32
      %dma_start3A_12 = tpu.memref_slice %arg2[%mul3A_2, %dma_start3A_11] : memref<16384x64xf32, #tpu.memory_space<hbm>> -> memref<512x64xf32, #tpu.memory_space<hbm>>
      tpu.enqueue_dma source(%dma_start3A_12 : memref<512x64xf32, #tpu.memory_space<hbm>>) target(%arg5 : memref<512x64xf32, #tpu.memory_space<vmem>>) target_semaphore(%run_scoped3A : memref<!tpu.dma_semaphore, #tpu.memory_space<semaphore_mem>>)
      %dma_wait3A = arith.constant 0 : i32
      %dma_wait3A_13 = tpu.memref_slice %arg2[%mul3A_2, %dma_wait3A] : memref<16384x64xf32, #tpu.memory_space<hbm>> -> memref<512x64xf32, #tpu.memory_space<hbm>>
      %dma_wait3A_14 = arith.constant 0 : i32
      %dma_wait3A_15 = tpu.memref_slice %arg2[%mul3A_2, %dma_wait3A_14] : memref<16384x64xf32, #tpu.memory_space<hbm>> -> memref<512x64xf32, #tpu.memory_space<hbm>>
      tpu.wait_dma2 semaphore(%run_scoped3A : memref<!tpu.dma_semaphore, #tpu.memory_space<semaphore_mem>>) src(%dma_wait3A_15 : memref<512x64xf32, #tpu.memory_space<hbm>>) dst(%arg5 : memref<512x64xf32, #tpu.memory_space<vmem>>)
      tpu.yield
    }) : () -> ()
    %iota3A = tpu.iota {dimensions = array<i32: 0>} : vector<16xi32>
    %lt3A = arith.constant 8 : i32
    %lt3A_3 = vector.broadcast %lt3A : i32 to vector<16xi32>
    %lt3A_4 = arith.cmpi slt, %iota3A, %lt3A_3 : vector<16xi32>
    %scan3A = arith.constant 0 : i32
    %scan3A_5 = arith.constant 0 : i32
    %scan3A_6 = arith.constant 512 : i32
    %scan3A_7 = arith.addi %scan3A_5, %scan3A_6 : i32
    %scan3A_8 = arith.constant 1 : i32
    scf.for %scan3A_10 = %scan3A_5 to %scan3A_7 step %scan3A_8  : i32 {
      %get3A = arith.index_cast %scan3A_10 : i32 to index
      %get3A_11 = arith.constant 0 : index
      %get3A_12 = tpu.vector_load %arg5[%get3A, %get3A_11] {strides = array<i32>} : memref<512x64xf32, #tpu.memory_space<vmem>>, vector<16xf32>,
      %bitcast_convert_type3A = tpu.bitcast %get3A_12 : vector<16xf32> -> vector<16xi32>
      %and3A = arith.constant -64 : i32
      %and3A_13 = vector.broadcast %and3A : i32 to vector<16xi32>
      %and3A_14 = arith.andi %bitcast_convert_type3A, %and3A_13 : vector<16xi32>
      %add3A_15 = arith.constant 0 : i32
      %add3A_16 = vector.broadcast %add3A_15 : i32 to vector<16xi32>
      %add3A_17 = arith.addi %iota3A, %add3A_16 : vector<16xi32>
      %sub3A = arith.constant 63 : i32
      %sub3A_18 = vector.broadcast %sub3A : i32 to vector<16xi32>
      %sub3A_19 = arith.subi %sub3A_18, %add3A_17 : vector<16xi32>
      %or3A = arith.ori %and3A_14, %sub3A_19 : vector<16xi32>
      %bitcast_convert_type3A_20 = tpu.bitcast %or3A : vector<16xi32> -> vector<16xf32>
      %masked_sort3A = arith.constant dense<true> : vector<16xi1>
      %masked_sort3A_21, %masked_sort3A_22, %masked_sort3A_23 = tpu.sort %bitcast_convert_type3A_20, %bitcast_convert_type3A_20 masked %masked_sort3A {descending = true} : (vector<16xf32>, vector<16xf32>, vector<16xi1>) -> (vector<16xi1>, vector<16xf32>, vector<16xf32>)
      %get3A_24 = arith.index_cast %scan3A_10 : i32 to index
      %get3A_25 = arith.constant 16 : index
      %get3A_26 = tpu.vector_load %arg5[%get3A_24, %get3A_25] {strides = array<i32>} : memref<512x64xf32, #tpu.memory_space<vmem>>, vector<16xf32>,
      %bitcast_convert_type3A_27 = tpu.bitcast %get3A_26 : vector<16xf32> -> vector<16xi32>
      %and3A_28 = arith.constant -64 : i32
      %and3A_29 = vector.broadcast %and3A_28 : i32 to vector<16xi32>
      %and3A_30 = arith.andi %bitcast_convert_type3A_27, %and3A_29 : vector<16xi32>
      %add3A_31 = arith.constant 16 : i32
      %add3A_32 = vector.broadcast %add3A_31 : i32 to vector<16xi32>
      %add3A_33 = arith.addi %iota3A, %add3A_32 : vector<16xi32>
      %sub3A_34 = arith.constant 63 : i32
      %sub3A_35 = vector.broadcast %sub3A_34 : i32 to vector<16xi32>
      %sub3A_36 = arith.subi %sub3A_35, %add3A_33 : vector<16xi32>
      %or3A_37 = arith.ori %and3A_30, %sub3A_36 : vector<16xi32>
      %bitcast_convert_type3A_38 = tpu.bitcast %or3A_37 : vector<16xi32> -> vector<16xf32>
      %masked_sort3A_39 = arith.constant dense<true> : vector<16xi1>
      %masked_sort3A_40, %masked_sort3A_41, %masked_sort3A_42 = tpu.sort %bitcast_convert_type3A_38, %bitcast_convert_type3A_38 masked %masked_sort3A_39 {descending = true} : (vector<16xf32>, vector<16xf32>, vector<16xi1>) -> (vector<16xi1>, vector<16xf32>, vector<16xf32>)
      %get3A_43 = arith.index_cast %scan3A_10 : i32 to index
      %get3A_44 = arith.constant 32 : index
      %get3A_45 = tpu.vector_load %arg5[%get3A_43, %get3A_44] {strides = array<i32>} : memref<512x64xf32, #tpu.memory_space<vmem>>, vector<16xf32>,
      %bitcast_convert_type3A_46 = tpu.bitcast %get3A_45 : vector<16xf32> -> vector<16xi32>
      %and3A_47 = arith.constant -64 : i32
      %and3A_48 = vector.broadcast %and3A_47 : i32 to vector<16xi32>
      %and3A_49 = arith.andi %bitcast_convert_type3A_46, %and3A_48 : vector<16xi32>
      %add3A_50 = arith.constant 32 : i32
      %add3A_51 = vector.broadcast %add3A_50 : i32 to vector<16xi32>
      %add3A_52 = arith.addi %iota3A, %add3A_51 : vector<16xi32>
      %sub3A_53 = arith.constant 63 : i32
      %sub3A_54 = vector.broadcast %sub3A_53 : i32 to vector<16xi32>
      %sub3A_55 = arith.subi %sub3A_54, %add3A_52 : vector<16xi32>
      %or3A_56 = arith.ori %and3A_49, %sub3A_55 : vector<16xi32>
      %bitcast_convert_type3A_57 = tpu.bitcast %or3A_56 : vector<16xi32> -> vector<16xf32>
      %masked_sort3A_58 = arith.constant dense<true> : vector<16xi1>
      %masked_sort3A_59, %masked_sort3A_60, %masked_sort3A_61 = tpu.sort %bitcast_convert_type3A_57, %bitcast_convert_type3A_57 masked %masked_sort3A_58 {descending = true} : (vector<16xf32>, vector<16xf32>, vector<16xi1>) -> (vector<16xi1>, vector<16xf32>, vector<16xf32>)
      %get3A_62 = arith.index_cast %scan3A_10 : i32 to index
      %get3A_63 = arith.constant 48 : index
      %get3A_64 = tpu.vector_load %arg5[%get3A_62, %get3A_63] {strides = array<i32>} : memref<512x64xf32, #tpu.memory_space<vmem>>, vector<16xf32>,
      %bitcast_convert_type3A_65 = tpu.bitcast %get3A_64 : vector<16xf32> -> vector<16xi32>
      %and3A_66 = arith.constant -64 : i32
      %and3A_67 = vector.broadcast %and3A_66 : i32 to vector<16xi32>
      %and3A_68 = arith.andi %bitcast_convert_type3A_65, %and3A_67 : vector<16xi32>
      %add3A_69 = arith.constant 48 : i32
      %add3A_70 = vector.broadcast %add3A_69 : i32 to vector<16xi32>
      %add3A_71 = arith.addi %iota3A, %add3A_70 : vector<16xi32>
      %sub3A_72 = arith.constant 63 : i32
      %sub3A_73 = vector.broadcast %sub3A_72 : i32 to vector<16xi32>
      %sub3A_74 = arith.subi %sub3A_73, %add3A_71 : vector<16xi32>
      %or3A_75 = arith.ori %and3A_68, %sub3A_74 : vector<16xi32>
      %bitcast_convert_type3A_76 = tpu.bitcast %or3A_75 : vector<16xi32> -> vector<16xf32>
      %masked_sort3A_77 = arith.constant dense<true> : vector<16xi1>
      %masked_sort3A_78, %masked_sort3A_79, %masked_sort3A_80 = tpu.sort %bitcast_convert_type3A_76, %bitcast_convert_type3A_76 masked %masked_sort3A_77 {descending = true} : (vector<16xf32>, vector<16xf32>, vector<16xi1>) -> (vector<16xi1>, vector<16xf32>, vector<16xf32>)
      %rev3A = arith.constant 15 : i32
      %rev3A_81 = vector.broadcast %rev3A : i32 to vector<16xi32>
      %rev3A_82 = tpu.iota {dimensions = array<i32: 0>} : vector<16xi32>
      %rev3A_83 = arith.subi %rev3A_81, %rev3A_82 : vector<16xi32>
      %rev3A_84 = tpu.dynamic_gather %masked_sort3A_41[%rev3A_83] in [0] : vector<16xf32>, vector<16xi32> -> vector<16xf32>
      %max3A = arith.maximumf %masked_sort3A_22, %rev3A_84 : vector<16xf32>
      %masked_sort3A_85 = arith.constant dense<true> : vector<16xi1>
      %masked_sort3A_86, %masked_sort3A_87, %masked_sort3A_88 = tpu.sort %max3A, %max3A masked %masked_sort3A_85 {descending = true} : (vector<16xf32>, vector<16xf32>, vector<16xi1>) -> (vector<16xi1>, vector<16xf32>, vector<16xf32>)
      %rev3A_89 = arith.constant 15 : i32
      %rev3A_90 = vector.broadcast %rev3A_89 : i32 to vector<16xi32>
      %rev3A_91 = tpu.iota {dimensions = array<i32: 0>} : vector<16xi32>
      %rev3A_92 = arith.subi %rev3A_90, %rev3A_91 : vector<16xi32>
      %rev3A_93 = tpu.dynamic_gather %masked_sort3A_79[%rev3A_92] in [0] : vector<16xf32>, vector<16xi32> -> vector<16xf32>
      %max3A_94 = arith.maximumf %masked_sort3A_60, %rev3A_93 : vector<16xf32>
      %masked_sort3A_95 = arith.constant dense<true> : vector<16xi1>
      %masked_sort3A_96, %masked_sort3A_97, %masked_sort3A_98 = tpu.sort %max3A_94, %max3A_94 masked %masked_sort3A_95 {descending = true} : (vector<16xf32>, vector<16xf32>, vector<16xi1>) -> (vector<16xi1>, vector<16xf32>, vector<16xf32>)
      %rev3A_99 = arith.constant 15 : i32
      %rev3A_100 = vector.broadcast %rev3A_99 : i32 to vector<16xi32>
      %rev3A_101 = tpu.iota {dimensions = array<i32: 0>} : vector<16xi32>
      %rev3A_102 = arith.subi %rev3A_100, %rev3A_101 : vector<16xi32>
      %rev3A_103 = tpu.dynamic_gather %masked_sort3A_97[%rev3A_102] in [0] : vector<16xf32>, vector<16xi32> -> vector<16xf32>
      %max3A_104 = arith.maximumf %masked_sort3A_87, %rev3A_103 : vector<16xf32>
      %masked_sort3A_105 = arith.constant dense<true> : vector<16xi1>
      %masked_sort3A_106, %masked_sort3A_107, %masked_sort3A_108 = tpu.sort %max3A_104, %max3A_104 masked %masked_sort3A_105 {descending = true} : (vector<16xf32>, vector<16xf32>, vector<16xi1>) -> (vector<16xi1>, vector<16xf32>, vector<16xf32>)
      %bitcast_convert_type3A_109 = tpu.bitcast %masked_sort3A_107 : vector<16xf32> -> vector<16xi32>
      %and3A_110 = arith.constant 63 : i32
      %and3A_111 = vector.broadcast %and3A_110 : i32 to vector<16xi32>
      %and3A_112 = arith.andi %bitcast_convert_type3A_109, %and3A_111 : vector<16xi32>
      %sub3A_113 = arith.constant 63 : i32
      %sub3A_114 = vector.broadcast %sub3A_113 : i32 to vector<16xi32>
      %sub3A_115 = arith.subi %sub3A_114, %and3A_112 : vector<16xi32>
      %and3A_116 = arith.constant -64 : i32
      %and3A_117 = vector.broadcast %and3A_116 : i32 to vector<16xi32>
      %and3A_118 = arith.andi %bitcast_convert_type3A_109, %and3A_117 : vector<16xi32>
      %or3A_119 = arith.constant 32 : i32
      %or3A_120 = vector.broadcast %or3A_119 : i32 to vector<16xi32>
      %or3A_121 = arith.ori %and3A_118, %or3A_120 : vector<16xi32>
      %bitcast_convert_type3A_122 = tpu.bitcast %or3A_121 : vector<16xi32> -> vector<16xf32>
      %jit3A = arith.constant 0.000000e+00 : f32
      %broadcast_in_dim3A = vector.broadcast %jit3A : f32 to vector<16xf32>
      %select_n3A = arith.select %lt3A_4, %bitcast_convert_type3A_122, %broadcast_in_dim3A : vector<16xi1>, vector<16xf32>
      %reduce_sum3A = arith.constant true
      %reduce_sum3A_123 = vector.broadcast %reduce_sum3A : i1 to vector<16xi1>
      %reduce_sum3A_124 = tpu.scan <sum>, %select_n3A masked %reduce_sum3A_123 : vector<16xf32>, vector<16xi1> -> vector<16xf32>
      %reduce_sum3A_125 = vector.extract %reduce_sum3A_124[15] : f32 from vector<16xf32>
      %div3A = vector.broadcast %reduce_sum3A_125 : f32 to vector<16xf32>
      %div3A_126 = arith.divf %bitcast_convert_type3A_122, %div3A : vector<16xf32>
      %swap3A = arith.index_cast %scan3A_10 : i32 to index
      %swap3A_127 = arith.constant 0 : index
      %swap3A_128 = tpu.vector_load %arg6[%swap3A, %swap3A_127] {strides = array<i32>} : memref<512x16xf32, #tpu.memory_space<vmem>>, vector<16xf32>,
      tpu.vector_store %arg6[%swap3A, %swap3A_127], %div3A_126 {strides = array<i32>} : memref<512x16xf32, #tpu.memory_space<vmem>>, vector<16xf32>,
      %swap3A_129 = arith.index_cast %scan3A_10 : i32 to index
      %swap3A_130 = arith.constant 0 : index
      %swap3A_131 = tpu.vector_load %arg7[%swap3A_129, %swap3A_130] {strides = array<i32>} : memref<512x16xi32, #tpu.memory_space<vmem>>, vector<16xi32>,
      tpu.vector_store %arg7[%swap3A_129, %swap3A_130], %sub3A_115 {strides = array<i32>} : memref<512x16xi32, #tpu.memory_space<vmem>>, vector<16xi32>,
    }
    %scan3A_9 = arith.constant 512 : i32
    "tpu.region"() ({
      %run_scoped3A = tpu.sem_alloc : memref<!tpu.dma_semaphore, #tpu.memory_space<semaphore_mem>>
      %dma_start3A = arith.constant 0 : i32
      %dma_start3A_10 = tpu.memref_slice %arg3[%mul3A_2, %dma_start3A] : memref<16384x16xf32, #tpu.memory_space<hbm>> -> memref<512x16xf32, #tpu.memory_space<hbm>>
      %dma_start3A_11 = arith.constant 0 : i32
      %dma_start3A_12 = tpu.memref_slice %arg3[%mul3A_2, %dma_start3A_11] : memref<16384x16xf32, #tpu.memory_space<hbm>> -> memref<512x16xf32, #tpu.memory_space<hbm>>
      tpu.enqueue_dma source(%arg6 : memref<512x16xf32, #tpu.memory_space<vmem>>) target(%dma_start3A_12 : memref<512x16xf32, #tpu.memory_space<hbm>>) target_semaphore(%run_scoped3A : memref<!tpu.dma_semaphore, #tpu.memory_space<semaphore_mem>>)
      %dma_wait3A = arith.constant 0 : i32
      %dma_wait3A_13 = tpu.memref_slice %arg3[%mul3A_2, %dma_wait3A] : memref<16384x16xf32, #tpu.memory_space<hbm>> -> memref<512x16xf32, #tpu.memory_space<hbm>>
      %dma_wait3A_14 = arith.constant 0 : i32
      %dma_wait3A_15 = tpu.memref_slice %arg3[%mul3A_2, %dma_wait3A_14] : memref<16384x16xf32, #tpu.memory_space<hbm>> -> memref<512x16xf32, #tpu.memory_space<hbm>>
      tpu.wait_dma2 semaphore(%run_scoped3A : memref<!tpu.dma_semaphore, #tpu.memory_space<semaphore_mem>>) src(%arg6 : memref<512x16xf32, #tpu.memory_space<vmem>>) dst(%dma_wait3A_15 : memref<512x16xf32, #tpu.memory_space<hbm>>)
      tpu.yield
    }) : () -> ()
    "tpu.region"() ({
      %run_scoped3A = tpu.sem_alloc : memref<!tpu.dma_semaphore, #tpu.memory_space<semaphore_mem>>
      %dma_start3A = arith.constant 0 : i32
      %dma_start3A_10 = tpu.memref_slice %arg4[%mul3A_2, %dma_start3A] : memref<16384x16xi32, #tpu.memory_space<hbm>> -> memref<512x16xi32, #tpu.memory_space<hbm>>
      %dma_start3A_11 = arith.constant 0 : i32
      %dma_start3A_12 = tpu.memref_slice %arg4[%mul3A_2, %dma_start3A_11] : memref<16384x16xi32, #tpu.memory_space<hbm>> -> memref<512x16xi32, #tpu.memory_space<hbm>>
      tpu.enqueue_dma source(%arg7 : memref<512x16xi32, #tpu.memory_space<vmem>>) target(%dma_start3A_12 : memref<512x16xi32, #tpu.memory_space<hbm>>) target_semaphore(%run_scoped3A : memref<!tpu.dma_semaphore, #tpu.memory_space<semaphore_mem>>)
      %dma_wait3A = arith.constant 0 : i32
      %dma_wait3A_13 = tpu.memref_slice %arg4[%mul3A_2, %dma_wait3A] : memref<16384x16xi32, #tpu.memory_space<hbm>> -> memref<512x16xi32, #tpu.memory_space<hbm>>
      %dma_wait3A_14 = arith.constant 0 : i32
      %dma_wait3A_15 = tpu.memref_slice %arg4[%mul3A_2, %dma_wait3A_14] : memref<16384x16xi32, #tpu.memory_space<hbm>> -> memref<512x16xi32, #tpu.memory_space<hbm>>
      tpu.wait_dma2 semaphore(%run_scoped3A : memref<!tpu.dma_semaphore, #tpu.memory_space<semaphore_mem>>) src(%arg7 : memref<512x16xi32, #tpu.memory_space<vmem>>) dst(%dma_wait3A_15 : memref<512x16xi32, #tpu.memory_space<hbm>>)
      tpu.yield
    }) : () -> ()
    return
  }
}

module attributes {stable_mosaic.version = 14 : i64} {
  func.func @_softmax_block_kernel(%arg0: i32, %arg1: memref<1024x4096xf32, #tpu.memory_space<vmem>>, %arg2: memref<64x4096xf32, #tpu.memory_space<vmem>>, %arg3: memref<1024x64xf32, #tpu.memory_space<vmem>>) attributes {dimension_semantics = [#tpu.dimension_semantics<parallel>], iteration_bounds = array<i64: 16>, scalar_prefetch = 0 : i64, scratch_operands = 0 : i64, tpu.core_type = #tpu.core_type<tc>, window_params = [{transform_indices = @transform_0, window_bounds = array<i64: 1024, 4096>}, {pipeline_mode = #tpu.pipeline_mode<synchronous>, transform_indices = @transform_1, window_bounds = array<i64: 64, 4096>}, {transform_indices = @transform_2, window_bounds = array<i64: 1024, 64>}]} {
    %get3A = arith.constant 0 : index
    %get3A_0 = arith.constant 0 : index
    %get3A_1 = vector.load %arg1[%get3A, %get3A_0] : memref<1024x4096xf32, #tpu.memory_space<vmem>>, vector<1024x4096xf32>
    %get3A_2 = arith.constant 0 : index
    %get3A_3 = arith.constant 0 : index
    %get3A_4 = vector.load %arg2[%get3A_2, %get3A_3] : memref<64x4096xf32, #tpu.memory_space<vmem>>, vector<64x4096xf32>
    %dot_general3A = arith.constant dense<0.000000e+00> : vector<1024x64xf32>
    %dot_general3A_5 = tpu.matmul %get3A_1, %get3A_4, %dot_general3A {dimension_numbers = #tpu.dot_dimension_numbers<[1], [1], [0], [0], [0, 0, 1, 0], [], []>, transpose_lhs_hint = false} : vector<1024x4096xf32>, vector<64x4096xf32>, vector<1024x64xf32> -> vector<1024x64xf32>
    %exp3A = math.exp %dot_general3A_5 : vector<1024x64xf32>
    %reduce_sum3A = arith.constant dense<0.000000e+00> : vector<1024xf32>
    %reduce_sum3A_6 = vector.multi_reduction <add>, %exp3A, %reduce_sum3A [1] : vector<1024x64xf32> to vector<1024xf32>
    %broadcast_in_dim3A = vector.shape_cast %reduce_sum3A_6 : vector<1024xf32> to vector<1024x1xf32>
    %div3A = vector.broadcast %broadcast_in_dim3A : vector<1024x1xf32> to vector<1024x64xf32>
    %div3A_7 = arith.divf %exp3A, %div3A : vector<1024x64xf32>
    %swap3A = arith.constant 0 : index
    %swap3A_8 = arith.constant 0 : index
    %swap3A_9 = vector.load %arg3[%swap3A, %swap3A_8] : memref<1024x64xf32, #tpu.memory_space<vmem>>, vector<1024x64xf32>
    tpu.vector_store %arg3[%swap3A, %swap3A_8], %div3A_7 {strides = array<i32>} : memref<1024x64xf32, #tpu.memory_space<vmem>>, vector<1024x64xf32>,
    return
  }
  func.func @transform_0(%arg0: i32) -> (i32, i32) {
    %c0_i32 = arith.constant 0 : i32
    %c0_i32_0 = arith.constant 0 : i32
    return %arg0, %c0_i32 : i32, i32
  }
  func.func @transform_1(%arg0: i32) -> (i32, i32) {
    %c0_i32 = arith.constant 0 : i32
    %c0_i32_0 = arith.constant 0 : i32
    %c0_i32_1 = arith.constant 0 : i32
    return %c0_i32, %c0_i32_0 : i32, i32
  }
  func.func @transform_2(%arg0: i32) -> (i32, i32) {
    %c0_i32 = arith.constant 0 : i32
    %c0_i32_0 = arith.constant 0 : i32
    return %arg0, %c0_i32 : i32, i32
  }
}

</mosaic_0001>

<sc_bundles>
// kernel: kernel.4.cloned.1.call-start
scs
__scs_entry_jumppad:
0x0: {  	(pc) =	sbr.rel $0x88, $3  }
0x1: {  	(tag) =	ssettag $0x0;
	lr =	simm.s32 $0x1  }
0x2: {  	[smem:$0x3F9F] =	sst lr;
	_ =	strace $0xD0000000  }
0x3: {  	_ = 	snop  }
0x4: {  	_ = 	snop  }
0x5: {  	_ = 	snop  }
0x6: {  	_ = 	snop  }
0x7: {  	_ = 	snop  }
__scs_overlays_trampoline_lowered:
0x8: {  	[smem:$0x3FAE] =	sst s0  }
0x9: {  	[smem:$0x3FAF] =	sst s1  }
0xa: {  	[smem:$0x3FB0] =	sst s2  }
0xb: {  	[smem:$0x3FB1] =	sst s3  }
0xc: {  	[smem:$0x3FB2] =	sst s4  }
0xd: {  	[smem:$0x3FB3] =	sst s5  }
0xe: {  	[smem:$0x3FB4] =	sst s6  }
0xf: {  	[smem:$0x3FB5] =	sst s7  }
0x10: {  	[smem:$0x3FB6] =	sst s8  }
0x11: {  	[smem:$0x3FB7] =	sst s9;
	s0 =	simm.s32 @!p0 $0x0  }
0x12: {  	s1 =	sld [smem:$0x3F9D];
	s0 =	simm.s32 @p0 $0x1  }
0x13: {  	[smem:$0x3FB8] =	sst s0;
	s0 =	simm.s32 @!p1 $0x0  }
0x14: {  	s2 =	sld [smem:$0x3F9C];
	s0 =	simm.s32 @p1 $0x1  }
0x15: {  	[smem:$0x3FB9] =	sst s0;
	s0 =	simm.s32 @!p2 $0x0  }
0x16: {  	s3 =	sld [smem:$0x3FDB];
	s0 =	simm.s32 @p2 $0x1  }
0x17: {  	s4 =	simm.s32 $0x1BF5;
	[smem:$0x3FBB] =	sst s0  }
0x18: {  	s0 =	sld [smem:$0x3F9E];
	_ =	swait.ge [sflag:s4], $0x0  }
0x19: {  	s7 =	sld [smem:$0x3F9F]  }
0x1a: {  	s8 =	sadd.s32 $0xFFFFE003, lr  }
0x1b: {  	s9 =	sadd.s32 $0xFFFFFEF7, lr;
	s5 =	simm.s32 $0xFFFFFFFF;
	p2 =	slt.u32 s8, $0xFFFFF086  }
0x1c: {  	p1 =	slt.u32 s9, $0xF7A;
	s5 =	simm.s32 @!p2 $0x0  }
0x1d: {  	s5 =	simm.s32 @p1 $0x1;
	p0 =	seq.s32 s7, s2  }
0x1e: {  	s7 =	smul.u32 @!p0 $0xF7A, s2;
	p2 =	seq.s32 @!p0 s5, $0x0  }
0x1f: {  	s9 =	smul.u32 $0xF7A, s1;
	s8 =	simm.s32 @!p0 $0x1BF5;
	p2 =	por !p2, p0  }
0x20: {  	[sflag:s8] =	ssyncset.s32 @!p0 $0xFFFFF086;
	s6 =	sadd.s32 @!p0 s3, s7;
	s7 =	simm.s32 @!p0 $0x108  }
0x21: {  	s3 =	sadd.s32 s3, s9;
	s6 =	sadd.s32 @!p0 $0x88, s6;
	s7 =	simm.s32 @p2 $0x1082  }
0x22: {  	[simem:s7], [sflag:s8] =	dma.local @!p0 [hbm:s6], $0xF7A  }
0x23: {  	s9 =	sor.u32 $0xD0000000, s2;
	s6 =	simm.s32 $0x108;
	_ =	swait.ge @!p0 [sflag:s8], $0x0  }
0x24: {  	s3 =	sadd.s32 $0x88, s3;
	s6 =	simm.s32 @!p1 $0x1082;
	[sflag:s4] =	ssyncset.s32 $0xFFFFF086  }
0x25: {  	[simem:s6], [sflag:s4] =	dma.local [hbm:s3], $0xF7A  }
0x26: {  	[smem:$0x3F9F] =	sst s1;
	(tag) =	ssettag s2;
	_ =	strace s9  }
0x27: {  	s1 =	sld [smem:$0x3FAF]  }
0x28: {  	s2 =	sld [smem:$0x3FB0]  }
0x29: {  	s4 =	sld [smem:$0x3FB2]  }
0x2a: {  	p0 =	seq.s32 s5, $0x0;
	s5 =	sld [smem:$0x3FB3]  }
0x2b: {  	s6 =	sld [smem:$0x3FB4]  }
0x2c: {  	s7 =	sld [smem:$0x3FB5]  }
0x2d: {  	s3 =	simm.s32 $0x108;
	s8 =	sld [smem:$0x3FB6]  }
0x2e: {  	s3 =	simm.s32 @!p0 $0x1082;
	s9 =	sld [smem:$0x3FB7]  }
0x2f: {  	lr =	sadd.s32 s0, s3;
	s0 =	sld [smem:$0x3FAE]  }
0x30: {  	s3 =	sld [smem:$0x3FB1]  }
0x31: {  	[smem:$0x3FBA] =	sst s10  }
0x32: {  	s10 =	sld [smem:$0x3FB8];
	_ =	sdelay $0x3  }
0x33: {  	p0 =	seq.s32 s10, $0x1;
	s10 =	sld [smem:$0x3FBA];
	_ =	sdelay $0x3  }
0x34: {  	[smem:$0x3FBA] =	sst s10  }
0x35: {  	s10 =	sld [smem:$0x3FB9];
	_ =	sdelay $0x3  }
0x36: {  	p1 =	seq.s32 s10, $0x1;
	s10 =	sld [smem:$0x3FBA];
	_ =	sdelay $0x3  }
0x37: {  	[smem:$0x3FBA] =	sst s10  }
0x38: {  	s10 =	sld [smem:$0x3FBB]  }
0x39: {  	_ = 	snop;
	(pc) =	sbr.ind lr, $3  }
0x3a: {  	_ = 	snop  }
0x3b: {  	_ = 	snop  }
0x3c: {  	p2 =	seq.s32 s10, $0x1;
	s10 =	sld [smem:$0x3FBA]  }
0x3d: {  	_ =	shalt  }
0x3e: {  	_ =	shalt  }
0x3f: {  	_ =	shalt  }
0x40: {  	_ =	shalt  }
0x41: {  	_ =	shalt  }
0x42: {  	_ =	shalt  }
0x43: {  	_ =	shalt  }
0x44: {  	_ =	shalt  }
0x45: {  	_ =	shalt  }
0x46: {  	_ =	shalt  }
0x47: {  	_ =	shalt  }
0x48: {  	_ =	shalt  }
0x49: {  	_ =	shalt  }
0x4a: {  	_ =	shalt  }
0x4b: {  	_ =	shalt  }
0x4c: {  	_ =	shalt  }
0x4d: {  	_ =	shalt  }
0x4e: {  	_ =	shalt  }
0x4f: {  	_ =	shalt  }
0x50: {  	_ =	shalt  }
0x51: {  	_ =	shalt  }
0x52: {  	_ =	shalt  }
0x53: {  	_ =	shalt  }
0x54: {  	_ =	shalt  }
0x55: {  	_ =	shalt  }
0x56: {  	_ =	shalt  }
0x57: {  	_ =	shalt  }
0x58: {  	_ =	shalt  }
0x59: {  	_ =	shalt  }
0x5a: {  	_ =	shalt  }
0x5b: {  	_ =	shalt  }
0x5c: {  	_ =	shalt  }
0x5d: {  	_ =	shalt  }
0x5e: {  	_ =	shalt  }
0x5f: {  	_ =	shalt  }
0x60: {  	_ =	shalt  }
0x61: {  	_ =	shalt  }
0x62: {  	_ =	shalt  }
0x63: {  	_ =	shalt  }
0x64: {  	_ =	shalt  }
0x65: {  	_ =	shalt  }
0x66: {  	_ =	shalt  }
0x67: {  	_ =	shalt  }
0x68: {  	_ =	shalt  }
0x69: {  	_ =	shalt  }
0x6a: {  	_ =	shalt  }
0x6b: {  	_ =	shalt  }
0x6c: {  	_ =	shalt  }
0x6d: {  	_ =	shalt  }
0x6e: {  	_ =	shalt  }
0x6f: {  	_ =	shalt  }
0x70: {  	_ =	shalt  }
0x71: {  	_ =	shalt  }
0x72: {  	_ =	shalt  }
0x73: {  	_ =	shalt  }
0x74: {  	_ =	shalt  }
0x75: {  	_ =	shalt  }
0x76: {  	_ =	shalt  }
0x77: {  	_ =	shalt  }
0x78: {  	_ =	shalt  }
0x79: {  	_ =	shalt  }
0x7a: {  	_ =	shalt  }
0x7b: {  	_ =	shalt  }
0x7c: {  	_ =	shalt  }
0x7d: {  	_ =	shalt  }
0x7e: {  	_ =	shalt  }
0x7f: {  	_ =	shalt  }
0x80: {  	_ =	shalt  }
0x81: {  	_ =	shalt  }
0x82: {  	_ =	shalt  }
0x83: {  	_ =	shalt  }
0x84: {  	_ =	shalt  }
0x85: {  	_ =	shalt  }
0x86: {  	_ =	shalt  }
0x87: {  	_ =	shalt  }
.Lfunc_end0:
.L_simem_size_0:
called_computation_lowered:
.L_overlay_start_0:
0x88: {  	s2 =	sld [smem:$0x3FD9]  }
0x89: {  	s3 =	sld [smem:$0x3FFE];
	_ =	sdelay $0x1  }
0x8a: {  	s1 =	srdreg.scid  }
0x8b: {  	s0 =	sand.u32 $0x1, s1  }
0x8c: {  	s16 =	sshll.u32 s0, $0xA;
	s2 =	sadd.s32 s3, s2  }
0x8d: {  	s2 =	sadd.s32 s2, s16  }
0x8e: {  	[smem:$0x3FC6] =	sst s2  }
0x8f: {  	_ = 	snop  }
0x90: {  	(tm) =	ssettm $0x1  }
0x91: {  	s17 =	sld [smem:$0x3FFB];
	_ =	sdelay $0x3  }
0x92: {  	_ =	strace s17  }
0x93: {  	s2 =	sld [smem:$0x3FFC];
	_ =	sdelay $0x3  }
0x94: {  	_ =	strace s2  }
0x95: {  	s2 =	sld [smem:$0x3FFD];
	_ =	sdelay $0x3  }
0x96: {  	_ =	strace s2  }
0x97: {  	_ =	strace $0x8FFFFFFF  }
0x98: {  	s18 =	sld [smem:$0x3FDB];
	_ =	sdelay $0x1  }
0x99: {  	s19 =	simm.s32 $_scs_section_size  }
0x9a: {  	s4 =	simm.s32 $_size__tile_overlayer_lowered;
	s5 =	simm.s32 $_tile_overlayer_lowered  }
0x9b: {  	s22 =	simm.s32 $0x1BFF;
	s21 =	sshll.u32 s5, $0x1;
	s2 =	sadd.s32 s19, s18  }
0x9c: {  	s6 =	simm.s32 $0x0;
	s20 =	sshll.u32 s4, $0x1;
	s4 =	sadd.s32 s21, s2  }
0x9d: {  	[timem:s6], [sflag:s22] =	dma.local [hbm:s4], s20  }
0x9e: {  	_ =	swait.ge [sflag:s22], s20  }
0x9f: {  	s3 =	ssub.s32 $0x0, s20;
	[sflag:s22] =	ssyncset.done $0x0  }
0xa0: {  	[sflag:s22] =	ssyncadd.s32 s3;
	_ =	sdelay $0x1  }
0xa1: {  	s23 =	simm.s32 $0x1B8B  }
0xa2: {  	_ =	swait.ge [sflag:s23], $0x1  }
0xa3: {  	[sflag:s23] =	ssyncset.done $0x0  }
0xa4: {  	s25 =	simm.s32 $0x1B8E;
	s24 =	sld [smem:$0x3FFE];
	[sflag:s23] =	ssyncadd.s32 $0xFFFFFFFF  }
0xa5: {  	s26 =	simm.s32 $execute0_lowered;
	[smem:$0x3FD2] =	sst s25  }
0xa6: {  	s4 =	sshll.u32 s26, $0x1;
	_ =	strace $0x80000046;
	[dreg:$0x1] =	wrdreg $0xFFFFFFFF  }
0xa7: {  	s28 =	simm.s32 $_size_execute0_lowered;
	s2 =	sadd.s32 s2, s4;
	[dreg:$0x0] =	wrdreg $0x0  }
0xa8: {  	s4 =	sshll.u32 s28, $0x1;
	[dreg:$0x2] =	wrdreg s2  }
0xa9: {  	[dreg:$0x3] =	wrdreg s4  }
0xaa: {  	[dreg:$0x4] =	wrdreg $0xC0  }
0xab: {  	_ =	task [dreg:s6], $0x5FFFF  }
0xac: {  	[dreg:$0x1] =	wrdreg $0xFFFFFFFF  }
0xad: {  	[dreg:$0x0] =	wrdreg $0x60  }
0xae: {  	[dreg:$0x2] =	wrdreg s24  }
0xaf: {  	[dreg:$0x3] =	wrdreg $0x9  }
0xb0: {  	_ =	task.clear_ibuf [dreg:s6], $0x4FFFF;
	_ =	strace $0x90000046  }
0xb1: {  	s29 =	simm.s32 $0x9;
	_ =	strace $0x80000048  }
0xb2: {  	_ =	swait.ge [sflag:s29], $0x1  }
0xb3: {  	[sflag:s29] =	ssyncadd.s32 $0xFFFFFFFF  }
0xb4: {  	_ =	strace $0x90000048  }
0xb5: {  	_ =	sfence  }
0xb6: {  	s30 =	sld [smem:$0x0];
	_ =	sdelay $0x2  }
0xb7: {  	s31 =	sshll.u32 s1, $0xD;
	s1 =	sshrl.u32 s1, $0x2  }
0xb8: {  	s3 =	sand.u32 $0x4000, s31;
	s1 =	sadd.s32 s1, s30  }
0xb9: {  	s0 =	sor.u32 s3, s0;
	s1 =	sshll.u32 s1, $0x11  }
0xba: {  	s0 =	sor.u32 s1, s0  }
0xbb: {  	s0 =	sadd.s32 $0x8F2B, s0  }
0xbc: {  	[sflag:s0] =	ssyncadd.remote.s32 $0x1  }
0xbd: {  	_ =	sfence.sel $0xFFFF  }
0xbe: {  	[dreg:$0x0] =	wrdreg $0xFFFFFFFF;
	(pc) =	sbr.abs _section_cstart, $3  }
0xbf: {  	[dreg:$0x1] =	wrdreg $0xFFFFFFFF  }
0xc0: {  	_ =	task.clear_ibuf [dreg:s6], $0x2FFFF;
	_ =	strace $0x9FFFFFFF  }
0xc1: {  	(tm) =	ssettm $0x7FFFFFFF  }
tec
execute0_lowered:
.L_overlay_start_1:
0x0: {  	(tag) =	ssettag $0x1  }
0x1: {  	s3 =	rddreg [dreg:$0x0]  }
0x2: {  	s0 =	rddreg [dreg:$0x1]  }
0x3: {  	s4 =	srdreg.scid;
	s2 =	simm.s32 $0x0;
	s1 =	stileid.u32  }
0x4: {  	s8 =	simm.s32 $0x8000;
	s9 =	simm.s32 $0xA000;
	s4 =	sand.u32 $0x1, s4  }
0x5: {  	[smem:$0x7FF] =	sst s2;
	s5 =	sshll.u32 s1, $0xA;
	s6 =	sshll.u32 s4, $0x9  }
0x6: {  	v0 =	vlaneseq.u32;
	s10 =	simm.s32 $0x0;
	_ =	strace $0x80000047;
	s5 =	sor.u32 s6, s5  }
0x7: {  	v3 =	vmul.u32 $0xFFFFFFFF, v0;
	s4 =	ssub.s32 $0x2, s4;
	s6 =	sshll.u32 s5, $0x3;
	s5 =	sshll.u32 s5, $0x1  }
0x8: {  	s31 =	sshrl.u32 s4, $0x1;
	s6 =	sadd.s32 s6, s3;
	s5 =	sadd.s32 s5, s3  }
0x9: {  	vm0 =	vmmov $0xff;
	v0 =	vadd.s32 $0x3F, v3;
	s7 =	ssub.s32 s4, s31;
	s3 =	sadd.s32 $0xC00, s6;
	s4 =	sadd.s32 $0x28C00, s5  }
0xa: {  	v1 =	vadd.s32 $0x2F, v3;
	v2 =	vadd.s32 $0x1F, v3;
	v3 =	vadd.s32 $0xF, v3;
	s5 =	sadd.s32 $0x20C00, s5;
	s6 =	smax.u32 s7, $0x1;
	s7 =	simm.s32 $0x1  }
.LBB2_1:
0xb: {  	[tilespmem:s2], [sflag:$0x1] =	stream.linear.gather [hbm4b:s3+s2], $0x8000, $0x38;
	[tilespmem:$0xC000] =	vst v63  }
0xc: {  	_ =	swait.ge [sflag:s7], $0x8000  }
0xd: {  	[sflag:s7] =	ssyncset.done $0x0  }
0xe: {  	s12 =	simm.s32 $0x20;
	[sflag:s7] =	ssyncadd.s32 $0xFFFF8000  }
0xf: {  	s13 =	simm.s32 $0x40;
	s11 =	simm.s32 $0x0;
	v4 =	vld [tilespmem:s12+$0x10]  }
.LBB2_2:
0x10: {  	p0 =	sne.s32 s13, $0x7FC0;
	v5 =	vld [tilespmem:s12+$0xFFFFFFF0]  }
0x11: {  	v6 =	vld [tilespmem:s12+$0x0];
	_ =	sdelay $0x1  }
0x12: {  	v7 =	vld [tilespmem:s12+$0xFFFFFFE0]  }
0x13: {  	v4 =	vand.u32 $0xFFFFFFC0, v4  }
0x14: {  	v5 =	vand.u32 $0xFFFFFFC0, v5;
	v4 =	vor.u32 v3, v4  }
0x15: {  	v5 =	vor.u32 v1, v5;
	v6 =	vand.u32 $0xFFFFFFC0, v6;
	(xrf1) =	vsort.dscd.msk.f32 $0xffff, v4, v4  }
0x16: {  	v4 =	vor.u32 v2, v6;
	(xrf1) =	vsort.dscd.msk.f32 $0xffff, v5, v5  }
0x17: {  	v5 =	vand.u32 $0xFFFFFFC0, v7;
	(xrf1) =	vsort.dscd.msk.f32 $0xffff, v4, v4  }
0x18: {  	v4 =	vor.u32 v0, v5  }
0x19: {  	(xrf1) =	vsort.dscd.msk.f32 $0xffff, v4, v4;
	_ =	sdelay $0x9  }
0x1a: {  	v4, _, _ =	vpop (xrf1)  }
0x1b: {  	v4 =	vperm.xlane v4, v3;
	v5, _, _ =	vpop (xrf1)  }
0x1c: {  	v6, _, _ =	vpop (xrf1)  }
0x1d: {  	v5 =	vperm.xlane v5, v3;
	v4 =	vmax.f32 v6, v4  }
0x1e: {  	v6, _, _ =	vpop (xrf1);
	(xrf1) =	vsort.dscd.msk.f32 $0xffff, v4, v4  }
0x1f: {  	v4 =	vmax.f32 v6, v5  }
0x20: {  	(xrf1) =	vsort.dscd.msk.f32 $0xffff, v4, v4;
	_ =	sdelay $0xb  }
0x21: {  	v4, _, _ =	vpop (xrf1)  }
0x22: {  	v4 =	vperm.xlane v4, v3  }
0x23: {  	v5, _, _ =	vpop (xrf1)  }
0x24: {  	v4 =	vmax.f32 v5, v4  }
0x25: {  	(xrf1) =	vsort.dscd.msk.f32 $0xffff, v4, v4;
	_ =	sdelay $0xd  }
0x26: {  	v4, _, _ =	vpop (xrf1)  }
0x27: {  	s14 =	sshra.s32 s11, $0x2;
	s11 =	smov.u32 s13;
	v5 =	vandn.u32 $0x3F, v4;
	v4 =	vand.u32 $0xFFFFFFC0, v4  }
0x28: {  	v4 =	vor.u32 $0x20, v4;
	[tilespmem:s14+$0xA000] =	vst v5  }
0x29: {  	v5 =	vnsel vm0, $0x0, v4  }
0x2a: {  	(xrf2) =	vadd.scan.msk.f32 $0xffff, v5;
	_ =	sdelay $0x9  }
0x2b: {  	v5, _, _ =	vpop (xrf2)  }
0x2c: {  	v5 =	vbroadcast v5, $0xF;
	_ =	sdelay $0x1  }
0x2d: {  	(erf) = vrcp.f32 v5;
	_ =	sdelay $0x8  }
.Ltmp0:
0x2e: {  	v5 =	vpop (erf);
	(pc) =	sbr.rel @p0 .LBB2_2-.Ltmp0, $3  }
0x2f: {  	v4 =	vmul.f32 v4, v5;
	_ =	sdelay $0x1  }
0x30: {  	s12 =	sadd.s32 $0x40, s12;
	[tilespmem:s14+$0x8000] =	vst v4  }
0x31: {  	s13 =	sadd.s32 $0x40, s13;
	v4 =	vld [tilespmem:s12+$0x10]  }
0x32: {  	v5 =	vld [tilespmem:s12+$0xFFFFFFF0]  }
0x33: {  	v6 =	vld [tilespmem:s12+$0x0];
	_ =	sdelay $0x1  }
0x34: {  	v7 =	vld [tilespmem:s12+$0xFFFFFFE0]  }
0x35: {  	v4 =	vand.u32 $0xFFFFFFC0, v4  }
0x36: {  	v5 =	vand.u32 $0xFFFFFFC0, v5;
	v4 =	vor.u32 v3, v4  }
0x37: {  	v6 =	vand.u32 $0xFFFFFFC0, v6;
	v5 =	vor.u32 v1, v5;
	(xrf1) =	vsort.dscd.msk.f32 $0xffff, v4, v4  }
0x38: {  	v4 =	vor.u32 v2, v6;
	(xrf1) =	vsort.dscd.msk.f32 $0xffff, v5, v5  }
0x39: {  	v5 =	vand.u32 $0xFFFFFFC0, v7;
	(xrf1) =	vsort.dscd.msk.f32 $0xffff, v4, v4  }
0x3a: {  	v4 =	vor.u32 v0, v5  }
0x3b: {  	(xrf1) =	vsort.dscd.msk.f32 $0xffff, v4, v4;
	_ =	sdelay $0x9  }
0x3c: {  	v4, _, _ =	vpop (xrf1)  }
0x3d: {  	v4 =	vperm.xlane v4, v3;
	v5, _, _ =	vpop (xrf1)  }
0x3e: {  	v61, _, _ =	vpop (xrf1)  }
0x3f: {  	v5 =	vperm.xlane v5, v3;
	v4 =	vmax.f32 v61, v4  }
0x40: {  	v62, _, _ =	vpop (xrf1);
	(xrf1) =	vsort.dscd.msk.f32 $0xffff, v4, v4  }
0x41: {  	v4 =	vmax.f32 v62, v5  }
0x42: {  	(xrf1) =	vsort.dscd.msk.f32 $0xffff, v4, v4;
	_ =	sdelay $0xb  }
0x43: {  	v4, _, _ =	vpop (xrf1)  }
0x44: {  	v4 =	vperm.xlane v4, v3  }
0x45: {  	v5, _, _ =	vpop (xrf1)  }
0x46: {  	v4 =	vmax.f32 v5, v4  }
0x47: {  	(xrf1) =	vsort.dscd.msk.f32 $0xffff, v4, v4;
	_ =	sdelay $0xd  }
0x48: {  	v4, _, _ =	vpop (xrf1)  }
0x49: {  	v5 =	vand.u32 $0xFFFFFFC0, v4  }
0x4a: {  	v5 =	vor.u32 $0x20, v5  }
0x4b: {  	v63 =	vnsel vm0, $0x0, v5  }
0x4c: {  	(xrf2) =	vadd.scan.msk.f32 $0xffff, v63;
	_ =	sdelay $0x9  }
0x4d: {  	v6, _, _ =	vpop (xrf2)  }
0x4e: {  	v6 =	vbroadcast v6, $0xF;
	_ =	sdelay $0x1  }
0x4f: {  	(erf) = vrcp.f32 v6;
	_ =	sdelay $0x8  }
0x50: {  	v6 =	vpop (erf)  }
0x51: {  	s11 =	sshra.s32 s11, $0x2;
	v4 =	vandn.u32 $0x3F, v4;
	v5 =	vmul.f32 v5, v6  }
0x52: {  	[tilespmem:s11+$0xA000] =	vst v4  }
0x53: {  	[tilespmem:s11+$0x8000] =	vst v5  }
0x54: {  	[hbm4b:s4+s2] =	stream.linear.scatter [tilespmem:s8], [sflag:$0x1], $0x2000, $0x38;
	[tilespmem:$0xC000] =	vst v63  }
0x55: {  	s10 =	sadd.s32 $0x1, s10;
	_ =	swait.ge [sflag:s7], $0x2000  }
0x56: {  	p0 =	sne.s32 s10, s6;
	[sflag:s7] =	ssyncset.done $0x0  }
.Ltmp1:
0x57: {  	[sflag:s7] =	ssyncadd.s32 $0xFFFFE000;
	(pc) =	sbr.rel @p0 .LBB2_1-.Ltmp1, $4  }
0x58: {  	[hbm4b:s5+s2] =	stream.linear.scatter [tilespmem:s9], [sflag:$0x1], $0x2000, $0x38;
	[tilespmem:$0xC000] =	vst v63  }
0x59: {  	_ =	swait.ge [sflag:s7], $0x2000  }
0x5a: {  	[sflag:s7] =	ssyncset.done $0x0  }
0x5b: {  	[sflag:s7] =	ssyncadd.s32 $0xFFFFE000  }
0x5c: {  	_ =	sfence.sel $0x180000  }
0x5d: {  	[bflag:$0x0] =	sbarrier.arrive $0xFFFF  }
0x5e: {  	p0 =	sne.s32 s1, $0x0;
	_ =	strace $0x90000047  }
0x5f: {  	s0 =	sadd.s32 @!p0 $0x100000, s0;
	[bflag:$0x2] =	sbarrier.arrive $0xFFFF  }
0x60: {  	[sflag:s0] =	ssyncadd.tile.s32 @!p0 $0x1;
	_ =	shalt  }
.Lfunc_end2:
_tile_overlayer_lowered:
.L_overlay_start_2:
0x61: {  	(tag) =	ssettag $0x2  }
0x62: {  	s0 =	rddreg [dreg:$0x0];
	s2 =	stileid.u32  }
0x63: {  	s1 =	rddreg [dreg:$0x1];
	p0 =	sne.s32 s2, $0x0  }
0x64: {  	s3 =	rddreg [dreg:$0x2];
	[bflag:$0x3] =	sbarrier.arrive $0xFFFF;
	s2 =	simm.s32 @!p0 $0x1C01  }
0x65: {  	[timem:s3], [sflag:s2] =	dma.local @!p0 [hbm:s0], s1  }
0x66: {  	s0 =	simm.s32 @!p0 $0x1  }
0x67: {  	_ =	swait.ge @!p0 [sflag:s0], s1  }
0x68: {  	s1 =	ssub.s32 @!p0 $0x0, s1;
	[sflag:s0] =	ssyncset.done @!p0 $0x0  }
0x69: {  	[sflag:s0] =	ssyncadd.s32 @!p0 s1  }
0x6a: {  	[bflag:$0x3] =	sbarrier.arrive $0xFFFF  }
0x6b: {  	_ =	shalt  }

</sc_bundles>
